<compile_context>
chip_gen: v7x
topology: tpu7x:2x2x1
jax: 0.10.2.dev20260603
libtpu: 0.0.44.dev20260713+nightly
codegen_flags: <defaults>
</compile_context>

<pallas_src>
import functools

import jax
import jax.numpy as jnp
from jax import lax
from jax.experimental import pallas as pl
from jax.experimental.pallas import tpu as pltpu
from jax.experimental.pallas import tpu_sc as plsc

_N = 1024
_T = 50
_V = 1000
_F = 10

_info = plsc.get_sparse_core_info()
_NC, _NS, _L = _info.num_cores, _info.num_subcores, _info.num_lanes
_NW = _NC * _NS
_NPW = _N // _NW
_XSLAB = _T * _F
_XW = _NPW * _XSLAB
_SVEC = (_XSLAB + _L - 1) // _L
_ZVEC = (_V + _L - 1) // _L

_mesh = plsc.VectorSubcoreMesh(core_axis_name="c", subcore_axis_name="s")


@functools.partial(
    pl.kernel,
    out_type=jax.ShapeDtypeStruct((_N, _T, _V), jnp.float32),
    mesh=_mesh,
    scratch_types=[
        pltpu.VMEM((_T, _V), jnp.float32),
        pltpu.VMEM((_T, _V), jnp.float32),
        pltpu.VMEM((_XW,), jnp.int32),
        pltpu.SemaphoreType.DMA,
        pltpu.SemaphoreType.DMA,
    ],
    compiler_params=pltpu.CompilerParams(
        needs_layout_passes=False, use_tc_tiling_on_sc=True
    ),
)
def _ten_hot(x_hbm, out_hbm, buf0, buf1, xv, sem0, sem1):
    wid = lax.axis_index("s") * _NC + lax.axis_index("c")
    n0 = wid * _NPW

    zeros = jnp.zeros((_L,), jnp.float32)
    ones = jnp.ones((_L,), jnp.float32)
    lane = lax.iota(jnp.int32, _L)

    pltpu.sync_copy(x_hbm.at[pl.ds(n0 * _XSLAB, _XW)], xv)

    for buf in (buf0, buf1):
        def zrow(t, carry, buf=buf):
            def zcol(j, c):
                off = jnp.minimum(j * _L, _V - _L)
                buf[t, pl.ds(off, _L)] = zeros
                return c

            return lax.fori_loop(0, _ZVEC, zcol, carry)

        lax.fori_loop(0, _T, zrow, 0)

    def scatter_slab(buf, k, val):
        xoff = k * _XSLAB

        def body(i, carry):
            e = jnp.minimum(i * _L, _XSLAB - _L) + lane
            t = lax.shift_right_logical(e * 52429, 19)
            v = xv[pl.ds(jnp.minimum(i * _L, _XSLAB - _L) + xoff, _L)]
            plsc.store_scatter(buf, [t, v], val)
            return carry

        lax.fori_loop(0, _SVEC, body, 0)

    def issue_out(buf, sem, k):
        pltpu.async_copy(buf, out_hbm.at[n0 + k], sem)

    for b, (buf, sem) in enumerate(((buf0, sem0), (buf1, sem1))):
        scatter_slab(buf, b, ones)
        issue_out(buf, sem, b)

    def pair_body(j, carry):
        for b, (buf, sem) in enumerate(((buf0, sem0), (buf1, sem1))):
            k = 2 * j + b
            pltpu.make_async_copy(buf, out_hbm.at[0], sem).wait()
            scatter_slab(buf, k - 2, zeros)
            scatter_slab(buf, k, ones)
            issue_out(buf, sem, k)
        return carry

    lax.fori_loop(1, _NPW // 2, pair_body, 0)

    for buf, sem in ((buf0, sem0), (buf1, sem1)):
        pltpu.make_async_copy(buf, out_hbm.at[0], sem).wait()


def kernel(x):
    return _ten_hot(x.reshape(-1))

# --- scband reference (transcript-rebuilt; emitter-appended) ---
"""Pipeline reference for scband-ten-hot-encode-layer-26233660244449 (READ-ONLY COPY).

The authoritative reference and input builder live on the scoring server;
editing this copy changes nothing except your own understanding.
"""

import jax, jax.numpy as jnp
import numpy as np

NUM_TOKENS = 1000

def setup_inputs(seed: int = 0) -> dict:
    key = jax.random.key(seed)
    x = jax.random.randint(key, (1024, 50, 10), 0, NUM_TOKENS, dtype=jnp.int32)
    return {"x": x}

def reference(x) -> jnp.ndarray:
    # Faithful translation of the torch triple loop:
    #   hot_out = zeros(N, T, num_tokens); hot_out[N, T, x[N, T, f]] = 1 for every f
    # Vectorized as a single scatter-overwrite (.at[...].set) which is exactly
    # what the loop computes (writing 1 multiple times to the same slot is idempotent).
    N, T, F = x.shape
    n_idx = jnp.arange(N)[:, None, None]          # [N,1,1] broadcast over T,F
    t_idx = jnp.arange(T)[None, :, None]          # [1,T,1] broadcast over N,F
    hot_out = jnp.zeros((N, T, NUM_TOKENS), dtype=jnp.float32)
    hot_out = hot_out.at[n_idx, t_idx, x].set(1.0)
    return hot_out

if __name__ == "__main__":
    import jax
    _d = setup_inputs()
    print(jax.jit(kernel)(*tuple(_d.values())))

</pallas_src>

<mosaic_0001>
#map = affine_map<(d0, d1) -> (0)>
#map1 = affine_map<(d0, d1) -> (0, 0, 0)>
module attributes {stable_mosaic.version = 14 : i64} {
  func.func @_ten_hot(%arg0: i32, %arg1: i32, %arg2: memref<512000xi32, #tpu.memory_space<hbm>>, %arg3: memref<1024x50x1000xf32, #tpu.memory_space<hbm>>, %arg4: memref<50x1000xf32, #tpu.memory_space<vmem>>, %arg5: memref<50x1000xf32, #tpu.memory_space<vmem>>, %arg6: memref<16000xi32, #tpu.memory_space<vmem>>, %arg7: memref<!tpu.dma_semaphore, #tpu.memory_space<semaphore_mem>>, %arg8: memref<!tpu.dma_semaphore, #tpu.memory_space<semaphore_mem>>) attributes {dimension_semantics = [#tpu.dimension_semantics<core_parallel>, #tpu.dimension_semantics<subcore_parallel>], iteration_bounds = array<i64: 2, 16>, scalar_prefetch = 0 : i64, scratch_operands = 5 : i64, tpu.core_type = #tpu.core_type<sc_vector_subcore>, window_params = [{transform_indices = #map}, {transform_indices = #map1}]} {
    %mul3A = arith.constant 2 : i32
    %mul3A_0 = arith.muli %arg1, %mul3A : i32
    %add3A = arith.addi %mul3A_0, %arg0 : i32
    %mul3A_1 = arith.constant 32 : i32
    %mul3A_2 = arith.muli %add3A, %mul3A_1 : i32
    %broadcast_in_dim3A = arith.constant 0.000000e+00 : f32
    %broadcast_in_dim3A_3 = vector.broadcast %broadcast_in_dim3A : f32 to vector<16xf32>
    %broadcast_in_dim3A_4 = arith.constant 1.000000e+00 : f32
    %broadcast_in_dim3A_5 = vector.broadcast %broadcast_in_dim3A_4 : f32 to vector<16xf32>
    %iota3A = tpu.iota {dimensions = array<i32: 0>} : vector<16xi32>
    %mul3A_6 = arith.constant 500 : i32
    %mul3A_7 = arith.muli %mul3A_2, %mul3A_6 : i32
    "tpu.region"() ({
      %run_scoped3A = tpu.sem_alloc : memref<!tpu.dma_semaphore, #tpu.memory_space<semaphore_mem>>
      %dma_start3A_73 = tpu.memref_slice %arg2[%mul3A_7] : memref<512000xi32, #tpu.memory_space<hbm>> -> memref<16000xi32, #tpu.memory_space<hbm>>
      %dma_start3A_74 = tpu.memref_slice %arg2[%mul3A_7] : memref<512000xi32, #tpu.memory_space<hbm>> -> memref<16000xi32, #tpu.memory_space<hbm>>
      tpu.enqueue_dma source(%dma_start3A_74 : memref<16000xi32, #tpu.memory_space<hbm>>) target(%arg6 : memref<16000xi32, #tpu.memory_space<vmem>>) target_semaphore(%run_scoped3A : memref<!tpu.dma_semaphore, #tpu.memory_space<semaphore_mem>>)
      %dma_wait3A_75 = tpu.memref_slice %arg2[%mul3A_7] : memref<512000xi32, #tpu.memory_space<hbm>> -> memref<16000xi32, #tpu.memory_space<hbm>>
      %dma_wait3A_76 = tpu.memref_slice %arg2[%mul3A_7] : memref<512000xi32, #tpu.memory_space<hbm>> -> memref<16000xi32, #tpu.memory_space<hbm>>
      tpu.wait_dma2 semaphore(%run_scoped3A : memref<!tpu.dma_semaphore, #tpu.memory_space<semaphore_mem>>) src(%dma_wait3A_76 : memref<16000xi32, #tpu.memory_space<hbm>>) dst(%arg6 : memref<16000xi32, #tpu.memory_space<vmem>>)
      tpu.yield
    }) : () -> ()
    %scan3A = arith.constant 0 : i32
    %scan3A_8 = arith.constant 0 : i32
    %scan3A_9 = arith.constant 50 : i32
    %scan3A_10 = arith.addi %scan3A_8, %scan3A_9 : i32
    %scan3A_11 = arith.constant 1 : i32
    scf.for %scan3A_73 = %scan3A_8 to %scan3A_10 step %scan3A_11  : i32 {
      %scan3A_74 = arith.constant 0 : i32
      %scan3A_75 = arith.constant 63 : i32
      %scan3A_76 = arith.addi %scan3A_74, %scan3A_75 : i32
      %scan3A_77 = arith.constant 1 : i32
      scf.for %scan3A_79 = %scan3A_74 to %scan3A_76 step %scan3A_77  : i32 {
        %mul3A_80 = arith.constant 16 : i32
        %mul3A_81 = arith.muli %scan3A_79, %mul3A_80 : i32
        %min3A = arith.constant 984 : i32
        %min3A_82 = arith.minsi %mul3A_81, %min3A : i32
        %swap3A = arith.index_cast %scan3A_73 : i32 to index
        %swap3A_83 = arith.index_cast %min3A_82 : i32 to index
        %swap3A_84 = tpu.vector_load %arg4[%swap3A, %swap3A_83] {strides = array<i32>} : memref<50x1000xf32, #tpu.memory_space<vmem>>, vector<16xf32>,
        tpu.vector_store %arg4[%swap3A, %swap3A_83], %broadcast_in_dim3A_3 {strides = array<i32>} : memref<50x1000xf32, #tpu.memory_space<vmem>>, vector<16xf32>,
      }
      %scan3A_78 = arith.constant 63 : i32
    }
    %scan3A_12 = arith.constant 50 : i32
    %scan3A_13 = arith.constant 0 : i32
    %scan3A_14 = arith.constant 0 : i32
    %scan3A_15 = arith.constant 50 : i32
    %scan3A_16 = arith.addi %scan3A_14, %scan3A_15 : i32
    %scan3A_17 = arith.constant 1 : i32
    scf.for %scan3A_73 = %scan3A_14 to %scan3A_16 step %scan3A_17  : i32 {
      %scan3A_74 = arith.constant 0 : i32
      %scan3A_75 = arith.constant 63 : i32
      %scan3A_76 = arith.addi %scan3A_74, %scan3A_75 : i32
      %scan3A_77 = arith.constant 1 : i32
      scf.for %scan3A_79 = %scan3A_74 to %scan3A_76 step %scan3A_77  : i32 {
        %mul3A_80 = arith.constant 16 : i32
        %mul3A_81 = arith.muli %scan3A_79, %mul3A_80 : i32
        %min3A = arith.constant 984 : i32
        %min3A_82 = arith.minsi %mul3A_81, %min3A : i32
        %swap3A = arith.index_cast %scan3A_73 : i32 to index
        %swap3A_83 = arith.index_cast %min3A_82 : i32 to index
        %swap3A_84 = tpu.vector_load %arg5[%swap3A, %swap3A_83] {strides = array<i32>} : memref<50x1000xf32, #tpu.memory_space<vmem>>, vector<16xf32>,
        tpu.vector_store %arg5[%swap3A, %swap3A_83], %broadcast_in_dim3A_3 {strides = array<i32>} : memref<50x1000xf32, #tpu.memory_space<vmem>>, vector<16xf32>,
      }
      %scan3A_78 = arith.constant 63 : i32
    }
    %scan3A_18 = arith.constant 50 : i32
    %scan3A_19 = arith.constant 0 : i32
    %scan3A_20 = arith.constant 0 : i32
    %scan3A_21 = arith.constant 32 : i32
    %scan3A_22 = arith.addi %scan3A_20, %scan3A_21 : i32
    %scan3A_23 = arith.constant 1 : i32
    scf.for %scan3A_73 = %scan3A_20 to %scan3A_22 step %scan3A_23  : i32 {
      %mul3A_74 = arith.constant 16 : i32
      %mul3A_75 = arith.muli %scan3A_73, %mul3A_74 : i32
      %min3A = arith.constant 484 : i32
      %min3A_76 = arith.minsi %mul3A_75, %min3A : i32
      %add3A_77 = vector.broadcast %min3A_76 : i32 to vector<16xi32>
      %add3A_78 = arith.addi %add3A_77, %iota3A : vector<16xi32>
      %mul3A_79 = arith.constant 52429 : i32
      %mul3A_80 = vector.broadcast %mul3A_79 : i32 to vector<16xi32>
      %mul3A_81 = arith.muli %add3A_78, %mul3A_80 : vector<16xi32>
      %shift_right_logical3A = arith.constant 19 : i32
      %shift_right_logical3A_82 = vector.broadcast %shift_right_logical3A : i32 to vector<16xi32>
      %shift_right_logical3A_83 = arith.shrui %mul3A_81, %shift_right_logical3A_82 : vector<16xi32>
      %mul3A_84 = arith.constant 16 : i32
      %mul3A_85 = arith.muli %scan3A_73, %mul3A_84 : i32
      %min3A_86 = arith.constant 484 : i32
      %min3A_87 = arith.minsi %mul3A_85, %min3A_86 : i32
      %add3A_88 = arith.constant 0 : i32
      %add3A_89 = arith.addi %min3A_87, %add3A_88 : i32
      %get3A = arith.index_cast %add3A_89 : i32 to index
      %get3A_90 = tpu.vector_load %arg6[%get3A] {strides = array<i32>} : memref<16000xi32, #tpu.memory_space<vmem>>, vector<16xi32>,
      tpu.vector_store_idx %arg4[%shift_right_logical3A_83, %get3A_90], %broadcast_in_dim3A_5 : memref<50x1000xf32, #tpu.memory_space<vmem>>[vector<16xi32>, vector<16xi32>], vector<16xf32>,
    }
    %scan3A_24 = arith.constant 32 : i32
    %add3A_25 = arith.constant 0 : i32
    %add3A_26 = arith.addi %mul3A_2, %add3A_25 : i32
    %dma_start3A = arith.constant 0 : i32
    %dma_start3A_27 = arith.constant 0 : i32
    %dma_start3A_28 = tpu.memref_slice %arg3[%add3A_26, %dma_start3A, %dma_start3A_27] : memref<1024x50x1000xf32, #tpu.memory_space<hbm>> -> memref<1x50x1000xf32, #tpu.memory_space<hbm>>
    %dma_start3A_29 = tpu.memref_squeeze %dma_start3A_28 : memref<1x50x1000xf32, #tpu.memory_space<hbm>> -> memref<50x1000xf32, #tpu.memory_space<hbm>>
    %dma_start3A_30 = arith.constant 0 : i32
    %dma_start3A_31 = arith.constant 0 : i32
    %dma_start3A_32 = tpu.memref_slice %arg3[%add3A_26, %dma_start3A_30, %dma_start3A_31] : memref<1024x50x1000xf32, #tpu.memory_space<hbm>> -> memref<1x50x1000xf32, #tpu.memory_space<hbm>>
    %dma_start3A_33 = tpu.memref_squeeze %dma_start3A_32 : memref<1x50x1000xf32, #tpu.memory_space<hbm>> -> memref<50x1000xf32, #tpu.memory_space<hbm>>
    tpu.enqueue_dma source(%arg4 : memref<50x1000xf32, #tpu.memory_space<vmem>>) target(%dma_start3A_33 : memref<50x1000xf32, #tpu.memory_space<hbm>>) target_semaphore(%arg7 : memref<!tpu.dma_semaphore, #tpu.memory_space<semaphore_mem>>)
    %scan3A_34 = arith.constant 0 : i32
    %scan3A_35 = arith.constant 0 : i32
    %scan3A_36 = arith.constant 32 : i32
    %scan3A_37 = arith.addi %scan3A_35, %scan3A_36 : i32
    %scan3A_38 = arith.constant 1 : i32
    scf.for %scan3A_73 = %scan3A_35 to %scan3A_37 step %scan3A_38  : i32 {
      %mul3A_74 = arith.constant 16 : i32
      %mul3A_75 = arith.muli %scan3A_73, %mul3A_74 : i32
      %min3A = arith.constant 484 : i32
      %min3A_76 = arith.minsi %mul3A_75, %min3A : i32
      %add3A_77 = vector.broadcast %min3A_76 : i32 to vector<16xi32>
      %add3A_78 = arith.addi %add3A_77, %iota3A : vector<16xi32>
      %mul3A_79 = arith.constant 52429 : i32
      %mul3A_80 = vector.broadcast %mul3A_79 : i32 to vector<16xi32>
      %mul3A_81 = arith.muli %add3A_78, %mul3A_80 : vector<16xi32>
      %shift_right_logical3A = arith.constant 19 : i32
      %shift_right_logical3A_82 = vector.broadcast %shift_right_logical3A : i32 to vector<16xi32>
      %shift_right_logical3A_83 = arith.shrui %mul3A_81, %shift_right_logical3A_82 : vector<16xi32>
      %mul3A_84 = arith.constant 16 : i32
      %mul3A_85 = arith.muli %scan3A_73, %mul3A_84 : i32
      %min3A_86 = arith.constant 484 : i32
      %min3A_87 = arith.minsi %mul3A_85, %min3A_86 : i32
      %add3A_88 = arith.constant 500 : i32
      %add3A_89 = arith.addi %min3A_87, %add3A_88 : i32
      %get3A = arith.index_cast %add3A_89 : i32 to index
      %get3A_90 = tpu.vector_load %arg6[%get3A] {strides = array<i32>} : memref<16000xi32, #tpu.memory_space<vmem>>, vector<16xi32>,
      tpu.vector_store_idx %arg5[%shift_right_logical3A_83, %get3A_90], %broadcast_in_dim3A_5 : memref<50x1000xf32, #tpu.memory_space<vmem>>[vector<16xi32>, vector<16xi32>], vector<16xf32>,
    }
    %scan3A_39 = arith.constant 32 : i32
    %add3A_40 = arith.constant 1 : i32
    %add3A_41 = arith.addi %mul3A_2, %add3A_40 : i32
    %dma_start3A_42 = arith.constant 0 : i32
    %dma_start3A_43 = arith.constant 0 : i32
    %dma_start3A_44 = tpu.memref_slice %arg3[%add3A_41, %dma_start3A_42, %dma_start3A_43] : memref<1024x50x1000xf32, #tpu.memory_space<hbm>> -> memref<1x50x1000xf32, #tpu.memory_space<hbm>>
    %dma_start3A_45 = tpu.memref_squeeze %dma_start3A_44 : memref<1x50x1000xf32, #tpu.memory_space<hbm>> -> memref<50x1000xf32, #tpu.memory_space<hbm>>
    %dma_start3A_46 = arith.constant 0 : i32
    %dma_start3A_47 = arith.constant 0 : i32
    %dma_start3A_48 = tpu.memref_slice %arg3[%add3A_41, %dma_start3A_46, %dma_start3A_47] : memref<1024x50x1000xf32, #tpu.memory_space<hbm>> -> memref<1x50x1000xf32, #tpu.memory_space<hbm>>
    %dma_start3A_49 = tpu.memref_squeeze %dma_start3A_48 : memref<1x50x1000xf32, #tpu.memory_space<hbm>> -> memref<50x1000xf32, #tpu.memory_space<hbm>>
    tpu.enqueue_dma source(%arg5 : memref<50x1000xf32, #tpu.memory_space<vmem>>) target(%dma_start3A_49 : memref<50x1000xf32, #tpu.memory_space<hbm>>) target_semaphore(%arg8 : memref<!tpu.dma_semaphore, #tpu.memory_space<semaphore_mem>>)
    %scan3A_50 = arith.constant 0 : i32
    %scan3A_51 = arith.constant 1 : i32
    %scan3A_52 = arith.constant 15 : i32
    %scan3A_53 = arith.addi %scan3A_51, %scan3A_52 : i32
    %scan3A_54 = arith.constant 1 : i32
    scf.for %scan3A_73 = %scan3A_51 to %scan3A_53 step %scan3A_54  : i32 {
      %mul3A_74 = arith.constant 2 : i32
      %mul3A_75 = arith.muli %mul3A_74, %scan3A_73 : i32
      %add3A_76 = arith.constant 0 : i32
      %add3A_77 = arith.addi %mul3A_75, %add3A_76 : i32
      %dma_wait3A_78 = arith.constant 0 : i32
      %dma_wait3A_79 = arith.constant 0 : i32
      %dma_wait3A_80 = arith.constant 0 : i32
      %dma_wait3A_81 = tpu.memref_slice %arg3[%dma_wait3A_78, %dma_wait3A_79, %dma_wait3A_80] : memref<1024x50x1000xf32, #tpu.memory_space<hbm>> -> memref<1x50x1000xf32, #tpu.memory_space<hbm>>
      %dma_wait3A_82 = tpu.memref_squeeze %dma_wait3A_81 : memref<1x50x1000xf32, #tpu.memory_space<hbm>> -> memref<50x1000xf32, #tpu.memory_space<hbm>>
      %dma_wait3A_83 = arith.constant 0 : i32
      %dma_wait3A_84 = arith.constant 0 : i32
      %dma_wait3A_85 = tpu.memref_slice %arg3[%dma_wait3A_78, %dma_wait3A_83, %dma_wait3A_84] : memref<1024x50x1000xf32, #tpu.memory_space<hbm>> -> memref<1x50x1000xf32, #tpu.memory_space<hbm>>
      %dma_wait3A_86 = tpu.memref_squeeze %dma_wait3A_85 : memref<1x50x1000xf32, #tpu.memory_space<hbm>> -> memref<50x1000xf32, #tpu.memory_space<hbm>>
      tpu.wait_dma2 semaphore(%arg7 : memref<!tpu.dma_semaphore, #tpu.memory_space<semaphore_mem>>) src(%arg4 : memref<50x1000xf32, #tpu.memory_space<vmem>>) dst(%dma_wait3A_86 : memref<50x1000xf32, #tpu.memory_space<hbm>>)
      %sub3A = arith.constant 2 : i32
      %sub3A_87 = arith.subi %add3A_77, %sub3A : i32
      %mul3A_88 = arith.constant 500 : i32
      %mul3A_89 = arith.muli %sub3A_87, %mul3A_88 : i32
      %scan3A_90 = arith.constant 0 : i32
      %scan3A_91 = arith.constant 0 : i32
      %scan3A_92 = arith.constant 32 : i32
      %scan3A_93 = arith.addi %scan3A_91, %scan3A_92 : i32
      %scan3A_94 = arith.constant 1 : i32
      scf.for %scan3A_153 = %scan3A_91 to %scan3A_93 step %scan3A_94  : i32 {
        %mul3A_154 = arith.constant 16 : i32
        %mul3A_155 = arith.muli %scan3A_153, %mul3A_154 : i32
        %min3A = arith.constant 484 : i32
        %min3A_156 = arith.minsi %mul3A_155, %min3A : i32
        %add3A_157 = vector.broadcast %min3A_156 : i32 to vector<16xi32>
        %add3A_158 = arith.addi %add3A_157, %iota3A : vector<16xi32>
        %mul3A_159 = arith.constant 52429 : i32
        %mul3A_160 = vector.broadcast %mul3A_159 : i32 to vector<16xi32>
        %mul3A_161 = arith.muli %add3A_158, %mul3A_160 : vector<16xi32>
        %shift_right_logical3A = arith.constant 19 : i32
        %shift_right_logical3A_162 = vector.broadcast %shift_right_logical3A : i32 to vector<16xi32>
        %shift_right_logical3A_163 = arith.shrui %mul3A_161, %shift_right_logical3A_162 : vector<16xi32>
        %mul3A_164 = arith.constant 16 : i32
        %mul3A_165 = arith.muli %scan3A_153, %mul3A_164 : i32
        %min3A_166 = arith.constant 484 : i32
        %min3A_167 = arith.minsi %mul3A_165, %min3A_166 : i32
        %add3A_168 = arith.addi %min3A_167, %mul3A_89 : i32
        %get3A = arith.index_cast %add3A_168 : i32 to index
        %get3A_169 = tpu.vector_load %arg6[%get3A] {strides = array<i32>} : memref<16000xi32, #tpu.memory_space<vmem>>, vector<16xi32>,
        tpu.vector_store_idx %arg4[%shift_right_logical3A_163, %get3A_169], %broadcast_in_dim3A_3 : memref<50x1000xf32, #tpu.memory_space<vmem>>[vector<16xi32>, vector<16xi32>], vector<16xf32>,
      }
      %scan3A_95 = arith.constant 32 : i32
      %mul3A_96 = arith.constant 500 : i32
      %mul3A_97 = arith.muli %add3A_77, %mul3A_96 : i32
      %scan3A_98 = arith.constant 0 : i32
      %scan3A_99 = arith.constant 0 : i32
      %scan3A_100 = arith.constant 32 : i32
      %scan3A_101 = arith.addi %scan3A_99, %scan3A_100 : i32
      %scan3A_102 = arith.constant 1 : i32
      scf.for %scan3A_153 = %scan3A_99 to %scan3A_101 step %scan3A_102  : i32 {
        %mul3A_154 = arith.constant 16 : i32
        %mul3A_155 = arith.muli %scan3A_153, %mul3A_154 : i32
        %min3A = arith.constant 484 : i32
        %min3A_156 = arith.minsi %mul3A_155, %min3A : i32
        %add3A_157 = vector.broadcast %min3A_156 : i32 to vector<16xi32>
        %add3A_158 = arith.addi %add3A_157, %iota3A : vector<16xi32>
        %mul3A_159 = arith.constant 52429 : i32
        %mul3A_160 = vector.broadcast %mul3A_159 : i32 to vector<16xi32>
        %mul3A_161 = arith.muli %add3A_158, %mul3A_160 : vector<16xi32>
        %shift_right_logical3A = arith.constant 19 : i32
        %shift_right_logical3A_162 = vector.broadcast %shift_right_logical3A : i32 to vector<16xi32>
        %shift_right_logical3A_163 = arith.shrui %mul3A_161, %shift_right_logical3A_162 : vector<16xi32>
        %mul3A_164 = arith.constant 16 : i32
        %mul3A_165 = arith.muli %scan3A_153, %mul3A_164 : i32
        %min3A_166 = arith.constant 484 : i32
        %min3A_167 = arith.minsi %mul3A_165, %min3A_166 : i32
        %add3A_168 = arith.addi %min3A_167, %mul3A_97 : i32
        %get3A = arith.index_cast %add3A_168 : i32 to index
        %get3A_169 = tpu.vector_load %arg6[%get3A] {strides = array<i32>} : memref<16000xi32, #tpu.memory_space<vmem>>, vector<16xi32>,
        tpu.vector_store_idx %arg4[%shift_right_logical3A_163, %get3A_169], %broadcast_in_dim3A_5 : memref<50x1000xf32, #tpu.memory_space<vmem>>[vector<16xi32>, vector<16xi32>], vector<16xf32>,
      }
      %scan3A_103 = arith.constant 32 : i32
      %add3A_104 = arith.addi %mul3A_2, %add3A_77 : i32
      %dma_start3A_105 = arith.constant 0 : i32
      %dma_start3A_106 = arith.constant 0 : i32
      %dma_start3A_107 = tpu.memref_slice %arg3[%add3A_104, %dma_start3A_105, %dma_start3A_106] : memref<1024x50x1000xf32, #tpu.memory_space<hbm>> -> memref<1x50x1000xf32, #tpu.memory_space<hbm>>
      %dma_start3A_108 = tpu.memref_squeeze %dma_start3A_107 : memref<1x50x1000xf32, #tpu.memory_space<hbm>> -> memref<50x1000xf32, #tpu.memory_space<hbm>>
      %dma_start3A_109 = arith.constant 0 : i32
      %dma_start3A_110 = arith.constant 0 : i32
      %dma_start3A_111 = tpu.memref_slice %arg3[%add3A_104, %dma_start3A_109, %dma_start3A_110] : memref<1024x50x1000xf32, #tpu.memory_space<hbm>> -> memref<1x50x1000xf32, #tpu.memory_space<hbm>>
      %dma_start3A_112 = tpu.memref_squeeze %dma_start3A_111 : memref<1x50x1000xf32, #tpu.memory_space<hbm>> -> memref<50x1000xf32, #tpu.memory_space<hbm>>
      tpu.enqueue_dma source(%arg4 : memref<50x1000xf32, #tpu.memory_space<vmem>>) target(%dma_start3A_112 : memref<50x1000xf32, #tpu.memory_space<hbm>>) target_semaphore(%arg7 : memref<!tpu.dma_semaphore, #tpu.memory_space<semaphore_mem>>)
      %mul3A_113 = arith.constant 2 : i32
      %mul3A_114 = arith.muli %mul3A_113, %scan3A_73 : i32
      %add3A_115 = arith.constant 1 : i32
      %add3A_116 = arith.addi %mul3A_114, %add3A_115 : i32
      %dma_wait3A_117 = arith.constant 0 : i32
      %dma_wait3A_118 = arith.constant 0 : i32
      %dma_wait3A_119 = arith.constant 0 : i32
      %dma_wait3A_120 = tpu.memref_slice %arg3[%dma_wait3A_117, %dma_wait3A_118, %dma_wait3A_119] : memref<1024x50x1000xf32, #tpu.memory_space<hbm>> -> memref<1x50x1000xf32, #tpu.memory_space<hbm>>
      %dma_wait3A_121 = tpu.memref_squeeze %dma_wait3A_120 : memref<1x50x1000xf32, #tpu.memory_space<hbm>> -> memref<50x1000xf32, #tpu.memory_space<hbm>>
      %dma_wait3A_122 = arith.constant 0 : i32
      %dma_wait3A_123 = arith.constant 0 : i32
      %dma_wait3A_124 = tpu.memref_slice %arg3[%dma_wait3A_117, %dma_wait3A_122, %dma_wait3A_123] : memref<1024x50x1000xf32, #tpu.memory_space<hbm>> -> memref<1x50x1000xf32, #tpu.memory_space<hbm>>
      %dma_wait3A_125 = tpu.memref_squeeze %dma_wait3A_124 : memref<1x50x1000xf32, #tpu.memory_space<hbm>> -> memref<50x1000xf32, #tpu.memory_space<hbm>>
      tpu.wait_dma2 semaphore(%arg8 : memref<!tpu.dma_semaphore, #tpu.memory_space<semaphore_mem>>) src(%arg5 : memref<50x1000xf32, #tpu.memory_space<vmem>>) dst(%dma_wait3A_125 : memref<50x1000xf32, #tpu.memory_space<hbm>>)
      %sub3A_126 = arith.constant 2 : i32
      %sub3A_127 = arith.subi %add3A_116, %sub3A_126 : i32
      %mul3A_128 = arith.constant 500 : i32
      %mul3A_129 = arith.muli %sub3A_127, %mul3A_128 : i32
      %scan3A_130 = arith.constant 0 : i32
      %scan3A_131 = arith.constant 0 : i32
      %scan3A_132 = arith.constant 32 : i32
      %scan3A_133 = arith.addi %scan3A_131, %scan3A_132 : i32
      %scan3A_134 = arith.constant 1 : i32
      scf.for %scan3A_153 = %scan3A_131 to %scan3A_133 step %scan3A_134  : i32 {
        %mul3A_154 = arith.constant 16 : i32
        %mul3A_155 = arith.muli %scan3A_153, %mul3A_154 : i32
        %min3A = arith.constant 484 : i32
        %min3A_156 = arith.minsi %mul3A_155, %min3A : i32
        %add3A_157 = vector.broadcast %min3A_156 : i32 to vector<16xi32>
        %add3A_158 = arith.addi %add3A_157, %iota3A : vector<16xi32>
        %mul3A_159 = arith.constant 52429 : i32
        %mul3A_160 = vector.broadcast %mul3A_159 : i32 to vector<16xi32>
        %mul3A_161 = arith.muli %add3A_158, %mul3A_160 : vector<16xi32>
        %shift_right_logical3A = arith.constant 19 : i32
        %shift_right_logical3A_162 = vector.broadcast %shift_right_logical3A : i32 to vector<16xi32>
        %shift_right_logical3A_163 = arith.shrui %mul3A_161, %shift_right_logical3A_162 : vector<16xi32>
        %mul3A_164 = arith.constant 16 : i32
        %mul3A_165 = arith.muli %scan3A_153, %mul3A_164 : i32
        %min3A_166 = arith.constant 484 : i32
        %min3A_167 = arith.minsi %mul3A_165, %min3A_166 : i32
        %add3A_168 = arith.addi %min3A_167, %mul3A_129 : i32
        %get3A = arith.index_cast %add3A_168 : i32 to index
        %get3A_169 = tpu.vector_load %arg6[%get3A] {strides = array<i32>} : memref<16000xi32, #tpu.memory_space<vmem>>, vector<16xi32>,
        tpu.vector_store_idx %arg5[%shift_right_logical3A_163, %get3A_169], %broadcast_in_dim3A_3 : memref<50x1000xf32, #tpu.memory_space<vmem>>[vector<16xi32>, vector<16xi32>], vector<16xf32>,
      }
      %scan3A_135 = arith.constant 32 : i32
      %mul3A_136 = arith.constant 500 : i32
      %mul3A_137 = arith.muli %add3A_116, %mul3A_136 : i32
      %scan3A_138 = arith.constant 0 : i32
      %scan3A_139 = arith.constant 0 : i32
      %scan3A_140 = arith.constant 32 : i32
      %scan3A_141 = arith.addi %scan3A_139, %scan3A_140 : i32
      %scan3A_142 = arith.constant 1 : i32
      scf.for %scan3A_153 = %scan3A_139 to %scan3A_141 step %scan3A_142  : i32 {
        %mul3A_154 = arith.constant 16 : i32
        %mul3A_155 = arith.muli %scan3A_153, %mul3A_154 : i32
        %min3A = arith.constant 484 : i32
        %min3A_156 = arith.minsi %mul3A_155, %min3A : i32
        %add3A_157 = vector.broadcast %min3A_156 : i32 to vector<16xi32>
        %add3A_158 = arith.addi %add3A_157, %iota3A : vector<16xi32>
        %mul3A_159 = arith.constant 52429 : i32
        %mul3A_160 = vector.broadcast %mul3A_159 : i32 to vector<16xi32>
        %mul3A_161 = arith.muli %add3A_158, %mul3A_160 : vector<16xi32>
        %shift_right_logical3A = arith.constant 19 : i32
        %shift_right_logical3A_162 = vector.broadcast %shift_right_logical3A : i32 to vector<16xi32>
        %shift_right_logical3A_163 = arith.shrui %mul3A_161, %shift_right_logical3A_162 : vector<16xi32>
        %mul3A_164 = arith.constant 16 : i32
        %mul3A_165 = arith.muli %scan3A_153, %mul3A_164 : i32
        %min3A_166 = arith.constant 484 : i32
        %min3A_167 = arith.minsi %mul3A_165, %min3A_166 : i32
        %add3A_168 = arith.addi %min3A_167, %mul3A_137 : i32
        %get3A = arith.index_cast %add3A_168 : i32 to index
        %get3A_169 = tpu.vector_load %arg6[%get3A] {strides = array<i32>} : memref<16000xi32, #tpu.memory_space<vmem>>, vector<16xi32>,
        tpu.vector_store_idx %arg5[%shift_right_logical3A_163, %get3A_169], %broadcast_in_dim3A_5 : memref<50x1000xf32, #tpu.memory_space<vmem>>[vector<16xi32>, vector<16xi32>], vector<16xf32>,
      }
      %scan3A_143 = arith.constant 32 : i32
      %add3A_144 = arith.addi %mul3A_2, %add3A_116 : i32
      %dma_start3A_145 = arith.constant 0 : i32
      %dma_start3A_146 = arith.constant 0 : i32
      %dma_start3A_147 = tpu.memref_slice %arg3[%add3A_144, %dma_start3A_145, %dma_start3A_146] : memref<1024x50x1000xf32, #tpu.memory_space<hbm>> -> memref<1x50x1000xf32, #tpu.memory_space<hbm>>
      %dma_start3A_148 = tpu.memref_squeeze %dma_start3A_147 : memref<1x50x1000xf32, #tpu.memory_space<hbm>> -> memref<50x1000xf32, #tpu.memory_space<hbm>>
      %dma_start3A_149 = arith.constant 0 : i32
      %dma_start3A_150 = arith.constant 0 : i32
      %dma_start3A_151 = tpu.memref_slice %arg3[%add3A_144, %dma_start3A_149, %dma_start3A_150] : memref<1024x50x1000xf32, #tpu.memory_space<hbm>> -> memref<1x50x1000xf32, #tpu.memory_space<hbm>>
      %dma_start3A_152 = tpu.memref_squeeze %dma_start3A_151 : memref<1x50x1000xf32, #tpu.memory_space<hbm>> -> memref<50x1000xf32, #tpu.memory_space<hbm>>
      tpu.enqueue_dma source(%arg5 : memref<50x1000xf32, #tpu.memory_space<vmem>>) target(%dma_start3A_152 : memref<50x1000xf32, #tpu.memory_space<hbm>>) target_semaphore(%arg8 : memref<!tpu.dma_semaphore, #tpu.memory_space<semaphore_mem>>)
    }
    %scan3A_55 = arith.constant 15 : i32
    %dma_wait3A = arith.constant 0 : i32
    %dma_wait3A_56 = arith.constant 0 : i32
    %dma_wait3A_57 = arith.constant 0 : i32
    %dma_wait3A_58 = tpu.memref_slice %arg3[%dma_wait3A, %dma_wait3A_56, %dma_wait3A_57] : memref<1024x50x1000xf32, #tpu.memory_space<hbm>> -> memref<1x50x1000xf32, #tpu.memory_space<hbm>>
    %dma_wait3A_59 = tpu.memref_squeeze %dma_wait3A_58 : memref<1x50x1000xf32, #tpu.memory_space<hbm>> -> memref<50x1000xf32, #tpu.memory_space<hbm>>
    %dma_wait3A_60 = arith.constant 0 : i32
    %dma_wait3A_61 = arith.constant 0 : i32
    %dma_wait3A_62 = tpu.memref_slice %arg3[%dma_wait3A, %dma_wait3A_60, %dma_wait3A_61] : memref<1024x50x1000xf32, #tpu.memory_space<hbm>> -> memref<1x50x1000xf32, #tpu.memory_space<hbm>>
    %dma_wait3A_63 = tpu.memref_squeeze %dma_wait3A_62 : memref<1x50x1000xf32, #tpu.memory_space<hbm>> -> memref<50x1000xf32, #tpu.memory_space<hbm>>
    tpu.wait_dma2 semaphore(%arg7 : memref<!tpu.dma_semaphore, #tpu.memory_space<semaphore_mem>>) src(%arg4 : memref<50x1000xf32, #tpu.memory_space<vmem>>) dst(%dma_wait3A_63 : memref<50x1000xf32, #tpu.memory_space<hbm>>)
    %dma_wait3A_64 = arith.constant 0 : i32
    %dma_wait3A_65 = arith.constant 0 : i32
    %dma_wait3A_66 = arith.constant 0 : i32
    %dma_wait3A_67 = tpu.memref_slice %arg3[%dma_wait3A_64, %dma_wait3A_65, %dma_wait3A_66] : memref<1024x50x1000xf32, #tpu.memory_space<hbm>> -> memref<1x50x1000xf32, #tpu.memory_space<hbm>>
    %dma_wait3A_68 = tpu.memref_squeeze %dma_wait3A_67 : memref<1x50x1000xf32, #tpu.memory_space<hbm>> -> memref<50x1000xf32, #tpu.memory_space<hbm>>
    %dma_wait3A_69 = arith.constant 0 : i32
    %dma_wait3A_70 = arith.constant 0 : i32
    %dma_wait3A_71 = tpu.memref_slice %arg3[%dma_wait3A_64, %dma_wait3A_69, %dma_wait3A_70] : memref<1024x50x1000xf32, #tpu.memory_space<hbm>> -> memref<1x50x1000xf32, #tpu.memory_space<hbm>>
    %dma_wait3A_72 = tpu.memref_squeeze %dma_wait3A_71 : memref<1x50x1000xf32, #tpu.memory_space<hbm>> -> memref<50x1000xf32, #tpu.memory_space<hbm>>
    tpu.wait_dma2 semaphore(%arg8 : memref<!tpu.dma_semaphore, #tpu.memory_space<semaphore_mem>>) src(%arg5 : memref<50x1000xf32, #tpu.memory_space<vmem>>) dst(%dma_wait3A_72 : memref<50x1000xf32, #tpu.memory_space<hbm>>)
    return
  }
}

</mosaic_0001>

<sc_bundles>
// kernel: kernel.3.cloned.1.call-start
scs
__scs_entry_jumppad:
0x0: {  	(pc) =	sbr.rel $0x88, $3  }
0x1: {  	(tag) =	ssettag $0x0;
	lr =	simm.s32 $0x1  }
0x2: {  	[smem:$0x3FA0] =	sst lr;
	_ =	strace $0xD0000000  }
0x3: {  	_ = 	snop  }
0x4: {  	_ = 	snop  }
0x5: {  	_ = 	snop  }
0x6: {  	_ = 	snop  }
0x7: {  	_ = 	snop  }
__scs_overlays_trampoline_lowered:
0x8: {  	[smem:$0x3FAF] =	sst s0  }
0x9: {  	[smem:$0x3FB0] =	sst s1  }
0xa: {  	[smem:$0x3FB1] =	sst s2  }
0xb: {  	[smem:$0x3FB2] =	sst s3  }
0xc: {  	[smem:$0x3FB3] =	sst s4  }
0xd: {  	[smem:$0x3FB4] =	sst s5  }
0xe: {  	[smem:$0x3FB5] =	sst s6  }
0xf: {  	[smem:$0x3FB6] =	sst s7  }
0x10: {  	[smem:$0x3FB7] =	sst s8  }
0x11: {  	[smem:$0x3FB8] =	sst s9;
	s0 =	simm.s32 @!p0 $0x0  }
0x12: {  	s1 =	sld [smem:$0x3F9E];
	s0 =	simm.s32 @p0 $0x1  }
0x13: {  	[smem:$0x3FB9] =	sst s0;
	s0 =	simm.s32 @!p1 $0x0  }
0x14: {  	s2 =	sld [smem:$0x3F9D];
	s0 =	simm.s32 @p1 $0x1  }
0x15: {  	[smem:$0x3FBA] =	sst s0;
	s0 =	simm.s32 @!p2 $0x0  }
0x16: {  	s3 =	sld [smem:$0x3FDB];
	s0 =	simm.s32 @p2 $0x1  }
0x17: {  	s4 =	simm.s32 $0x1BF5;
	[smem:$0x3FBC] =	sst s0  }
0x18: {  	s0 =	sld [smem:$0x3F9F];
	_ =	swait.ge [sflag:s4], $0x0  }
0x19: {  	s7 =	sld [smem:$0x3FA0]  }
0x1a: {  	s8 =	sadd.s32 $0xFFFFE003, lr  }
0x1b: {  	s9 =	sadd.s32 $0xFFFFFEF7, lr;
	s5 =	simm.s32 $0xFFFFFFFF;
	p2 =	slt.u32 s8, $0xFFFFF086  }
0x1c: {  	p1 =	slt.u32 s9, $0xF7A;
	s5 =	simm.s32 @!p2 $0x0  }
0x1d: {  	s5 =	simm.s32 @p1 $0x1;
	p0 =	seq.s32 s7, s2  }
0x1e: {  	s7 =	smul.u32 @!p0 $0xF7A, s2;
	p2 =	seq.s32 @!p0 s5, $0x0  }
0x1f: {  	s9 =	smul.u32 $0xF7A, s1;
	s8 =	simm.s32 @!p0 $0x1BF5;
	p2 =	por !p2, p0  }
0x20: {  	[sflag:s8] =	ssyncset.s32 @!p0 $0xFFFFF086;
	s6 =	sadd.s32 @!p0 s3, s7;
	s7 =	simm.s32 @!p0 $0x108  }
0x21: {  	s3 =	sadd.s32 s3, s9;
	s6 =	sadd.s32 @!p0 $0x88, s6;
	s7 =	simm.s32 @p2 $0x1082  }
0x22: {  	[simem:s7], [sflag:s8] =	dma.local @!p0 [hbm:s6], $0xF7A  }
0x23: {  	s9 =	sor.u32 $0xD0000000, s2;
	s6 =	simm.s32 $0x108;
	_ =	swait.ge @!p0 [sflag:s8], $0x0  }
0x24: {  	s3 =	sadd.s32 $0x88, s3;
	s6 =	simm.s32 @!p1 $0x1082;
	[sflag:s4] =	ssyncset.s32 $0xFFFFF086  }
0x25: {  	[simem:s6], [sflag:s4] =	dma.local [hbm:s3], $0xF7A  }
0x26: {  	[smem:$0x3FA0] =	sst s1;
	(tag) =	ssettag s2;
	_ =	strace s9  }
0x27: {  	s1 =	sld [smem:$0x3FB0]  }
0x28: {  	s2 =	sld [smem:$0x3FB1]  }
0x29: {  	s4 =	sld [smem:$0x3FB3]  }
0x2a: {  	p0 =	seq.s32 s5, $0x0;
	s5 =	sld [smem:$0x3FB4]  }
0x2b: {  	s6 =	sld [smem:$0x3FB5]  }
0x2c: {  	s7 =	sld [smem:$0x3FB6]  }
0x2d: {  	s3 =	simm.s32 $0x108;
	s8 =	sld [smem:$0x3FB7]  }
0x2e: {  	s3 =	simm.s32 @!p0 $0x1082;
	s9 =	sld [smem:$0x3FB8]  }
0x2f: {  	lr =	sadd.s32 s0, s3;
	s0 =	sld [smem:$0x3FAF]  }
0x30: {  	s3 =	sld [smem:$0x3FB2]  }
0x31: {  	[smem:$0x3FBB] =	sst s10  }
0x32: {  	s10 =	sld [smem:$0x3FB9];
	_ =	sdelay $0x3  }
0x33: {  	p0 =	seq.s32 s10, $0x1;
	s10 =	sld [smem:$0x3FBB];
	_ =	sdelay $0x3  }
0x34: {  	[smem:$0x3FBB] =	sst s10  }
0x35: {  	s10 =	sld [smem:$0x3FBA];
	_ =	sdelay $0x3  }
0x36: {  	p1 =	seq.s32 s10, $0x1;
	s10 =	sld [smem:$0x3FBB];
	_ =	sdelay $0x3  }
0x37: {  	[smem:$0x3FBB] =	sst s10  }
0x38: {  	s10 =	sld [smem:$0x3FBC]  }
0x39: {  	_ = 	snop;
	(pc) =	sbr.ind lr, $3  }
0x3a: {  	_ = 	snop  }
0x3b: {  	_ = 	snop  }
0x3c: {  	p2 =	seq.s32 s10, $0x1;
	s10 =	sld [smem:$0x3FBB]  }
0x3d: {  	_ =	shalt  }
0x3e: {  	_ =	shalt  }
0x3f: {  	_ =	shalt  }
0x40: {  	_ =	shalt  }
0x41: {  	_ =	shalt  }
0x42: {  	_ =	shalt  }
0x43: {  	_ =	shalt  }
0x44: {  	_ =	shalt  }
0x45: {  	_ =	shalt  }
0x46: {  	_ =	shalt  }
0x47: {  	_ =	shalt  }
0x48: {  	_ =	shalt  }
0x49: {  	_ =	shalt  }
0x4a: {  	_ =	shalt  }
0x4b: {  	_ =	shalt  }
0x4c: {  	_ =	shalt  }
0x4d: {  	_ =	shalt  }
0x4e: {  	_ =	shalt  }
0x4f: {  	_ =	shalt  }
0x50: {  	_ =	shalt  }
0x51: {  	_ =	shalt  }
0x52: {  	_ =	shalt  }
0x53: {  	_ =	shalt  }
0x54: {  	_ =	shalt  }
0x55: {  	_ =	shalt  }
0x56: {  	_ =	shalt  }
0x57: {  	_ =	shalt  }
0x58: {  	_ =	shalt  }
0x59: {  	_ =	shalt  }
0x5a: {  	_ =	shalt  }
0x5b: {  	_ =	shalt  }
0x5c: {  	_ =	shalt  }
0x5d: {  	_ =	shalt  }
0x5e: {  	_ =	shalt  }
0x5f: {  	_ =	shalt  }
0x60: {  	_ =	shalt  }
0x61: {  	_ =	shalt  }
0x62: {  	_ =	shalt  }
0x63: {  	_ =	shalt  }
0x64: {  	_ =	shalt  }
0x65: {  	_ =	shalt  }
0x66: {  	_ =	shalt  }
0x67: {  	_ =	shalt  }
0x68: {  	_ =	shalt  }
0x69: {  	_ =	shalt  }
0x6a: {  	_ =	shalt  }
0x6b: {  	_ =	shalt  }
0x6c: {  	_ =	shalt  }
0x6d: {  	_ =	shalt  }
0x6e: {  	_ =	shalt  }
0x6f: {  	_ =	shalt  }
0x70: {  	_ =	shalt  }
0x71: {  	_ =	shalt  }
0x72: {  	_ =	shalt  }
0x73: {  	_ =	shalt  }
0x74: {  	_ =	shalt  }
0x75: {  	_ =	shalt  }
0x76: {  	_ =	shalt  }
0x77: {  	_ =	shalt  }
0x78: {  	_ =	shalt  }
0x79: {  	_ =	shalt  }
0x7a: {  	_ =	shalt  }
0x7b: {  	_ =	shalt  }
0x7c: {  	_ =	shalt  }
0x7d: {  	_ =	shalt  }
0x7e: {  	_ =	shalt  }
0x7f: {  	_ =	shalt  }
0x80: {  	_ =	shalt  }
0x81: {  	_ =	shalt  }
0x82: {  	_ =	shalt  }
0x83: {  	_ =	shalt  }
0x84: {  	_ =	shalt  }
0x85: {  	_ =	shalt  }
0x86: {  	_ =	shalt  }
0x87: {  	_ =	shalt  }
.Lfunc_end0:
.L_simem_size_0:
called_computation_lowered:
.L_overlay_start_0:
0x88: {  	s2 =	sld [smem:$0x3FD9]  }
0x89: {  	s3 =	sld [smem:$0x3FFE];
	_ =	sdelay $0x1  }
0x8a: {  	s1 =	srdreg.scid  }
0x8b: {  	s0 =	sand.u32 $0x1, s1  }
0x8c: {  	s17 =	sshll.u32 s0, $0xA;
	s2 =	sadd.s32 s3, s2  }
0x8d: {  	s2 =	sadd.s32 s2, s17  }
0x8e: {  	[smem:$0x3FC7] =	sst s2  }
0x8f: {  	_ = 	snop  }
0x90: {  	s2 =	sld [smem:$0x3FD0];
	(tm) =	ssettm $0x1  }
0x91: {  	s18 =	sld [smem:$0x3FFB];
	_ =	sdelay $0x3  }
0x92: {  	_ =	strace s18  }
0x93: {  	s3 =	sld [smem:$0x3FFC];
	_ =	sdelay $0x3  }
0x94: {  	_ =	strace s3  }
0x95: {  	s3 =	sld [smem:$0x3FFD];
	_ =	sdelay $0x3  }
0x96: {  	_ =	strace s3  }
0x97: {  	_ =	strace $0x8FFFFFFF  }
0x98: {  	s19 =	sld [smem:$0x3FDB];
	_ =	sdelay $0x1  }
0x99: {  	s4 =	simm.s32 $_scs_section_size  }
0x9a: {  	s5 =	simm.s32 $_size__tile_overlayer_lowered;
	s6 =	simm.s32 $_tile_overlayer_lowered  }
0x9b: {  	s22 =	simm.s32 $0x1BFF;
	s21 =	sshll.u32 s6, $0x1;
	s3 =	sadd.s32 s4, s19  }
0x9c: {  	s7 =	simm.s32 $0x0;
	s20 =	sshll.u32 s5, $0x1;
	s5 =	sadd.s32 s21, s3  }
0x9d: {  	[timem:s7], [sflag:s22] =	dma.local [hbm:s5], s20  }
0x9e: {  	_ =	swait.ge [sflag:s22], s20  }
0x9f: {  	s4 =	ssub.s32 $0x0, s20;
	[sflag:s22] =	ssyncset.done $0x0  }
0xa0: {  	[sflag:s22] =	ssyncadd.s32 s4;
	_ =	sdelay $0x1  }
0xa1: {  	s23 =	simm.s32 $0x1B8B  }
0xa2: {  	_ =	swait.ge [sflag:s23], $0x1  }
0xa3: {  	[sflag:s23] =	ssyncset.done $0x0  }
0xa4: {  	s25 =	simm.s32 $0x1B8E;
	s24 =	sld [smem:$0x3FFE];
	[sflag:s23] =	ssyncadd.s32 $0xFFFFFFFF  }
0xa5: {  	s26 =	simm.s32 $execute0_lowered;
	[smem:$0x3FD2] =	sst s25  }
0xa6: {  	s5 =	sshll.u32 s26, $0x1;
	_ =	strace $0x80000046;
	[dreg:$0x1] =	wrdreg $0xFFFFFFFF  }
0xa7: {  	s28 =	simm.s32 $_size_execute0_lowered;
	s3 =	sadd.s32 s3, s5;
	[dreg:$0x0] =	wrdreg $0x0  }
0xa8: {  	s5 =	sshll.u32 s28, $0x1;
	[dreg:$0x2] =	wrdreg s3  }
0xa9: {  	[dreg:$0x3] =	wrdreg s5  }
0xaa: {  	[dreg:$0x4] =	wrdreg $0xC0  }
0xab: {  	_ =	task [dreg:s7], $0x5FFFF  }
0xac: {  	[dreg:$0x1] =	wrdreg $0xFFFFFFFF  }
0xad: {  	[dreg:$0x0] =	wrdreg $0x60  }
0xae: {  	[dreg:$0x2] =	wrdreg s2  }
0xaf: {  	[dreg:$0x3] =	wrdreg s24  }
0xb0: {  	[dreg:$0x4] =	wrdreg $0x9  }
0xb1: {  	_ =	task.clear_ibuf [dreg:s7], $0x5FFFF;
	_ =	strace $0x90000046  }
0xb2: {  	s29 =	simm.s32 $0x9;
	_ =	strace $0x80000048  }
0xb3: {  	_ =	swait.ge [sflag:s29], $0x1  }
0xb4: {  	[sflag:s29] =	ssyncadd.s32 $0xFFFFFFFF  }
0xb5: {  	_ =	strace $0x90000048  }
0xb6: {  	_ =	sfence  }
0xb7: {  	s30 =	sld [smem:$0x0];
	_ =	sdelay $0x2  }
0xb8: {  	s31 =	sshll.u32 s1, $0xD;
	s1 =	sshrl.u32 s1, $0x2  }
0xb9: {  	s3 =	sand.u32 $0x4000, s31;
	s1 =	sadd.s32 s1, s30  }
0xba: {  	s0 =	sor.u32 s3, s0;
	s1 =	sshll.u32 s1, $0x11  }
0xbb: {  	s0 =	sor.u32 s1, s0  }
0xbc: {  	s0 =	sadd.s32 $0x8F2B, s0  }
0xbd: {  	[sflag:s0] =	ssyncadd.remote.s32 $0x1  }
0xbe: {  	_ =	sfence.sel $0xFFFF  }
0xbf: {  	[dreg:$0x0] =	wrdreg $0xFFFFFFFF;
	(pc) =	sbr.abs _section_cstart, $3  }
0xc0: {  	[dreg:$0x1] =	wrdreg $0xFFFFFFFF  }
0xc1: {  	_ =	task.clear_ibuf [dreg:s7], $0x2FFFF;
	_ =	strace $0x9FFFFFFF  }
0xc2: {  	(tm) =	ssettm $0x7FFFFFFF  }
0xc3: {  	_ =	shalt  }
tec
execute0_lowered:
.L_overlay_start_1:
0x0: {  	(tag) =	ssettag $0x1  }
0x1: {  	s6 =	rddreg [dreg:$0x0]  }
0x2: {  	s3 =	rddreg [dreg:$0x1]  }
0x3: {  	s0 =	rddreg [dreg:$0x2];
	s4 =	srdreg.scid  }
0x4: {  	s1 =	stileid.u32;
	s2 =	simm.s32 $0x0;
	s10 =	simm.s32 $0x3  }
0x5: {  	s11 =	simm.s32 $0xE000;
	s4 =	sand.u32 $0x1, s4;
	s5 =	sshll.u32 s1, $0x1  }
0x6: {  	s12 =	simm.s32 $0x1;
	s13 =	simm.s32 $0x2;
	s5 =	sor.u32 s4, s5  }
0x7: {  	s14 =	simm.s32 $0x0;
	s4 =	ssub.s32 $0x2, s4;
	s7 =	smul.u32 $0x38000, s5  }
0x8: {  	[smem:$0x7FF] =	sst s2;
	s8 =	sshrl.u32 s4, $0x1;
	s9 =	smul.u32 $0x7D0, s5  }
0x9: {  	v0 =	vimm.f32 $0.0e+00;
	s3 =	sadd.s32 $0x400, s3;
	_ =	strace $0x80000047;
	s8 =	ssub.s32 s4, s8  }
0xa: {  	v1 =	vlaneseq.u32;
	v3 =	vimm.s32 $0xC080;
	vm0 =	vcmask $0x1700;
	s4 =	sshll.u32 s5, $0x5;
	s5 =	sadd.s32 s3, s7;
	s6 =	sadd.s32 s6, s9  }
0xb: {  	v2 =	vimm.f32 $1.000000000e+00;
	v1 =	vmul.u32 $0xCCCD, v1;
	v3 =	vsel vm0, $0xC000, v3;
	s8 =	smax.u32 s8, $0x1;
	s9 =	simm.s32 $0x1C000;
	s7 =	sadd.s32 $0x1C00, s5  }
.LBB2_1:
0xc: {  	[tilespmem:s9], [sflag:$0x3] =	stream.linear.gather [hbm4b:s6+s2], $0x3E80, $0x38;
	[tilespmem:$0x1FE80] =	vst v63  }
0xd: {  	_ =	swait.ge [sflag:s10], $0x3E80  }
0xe: {  	[sflag:s10] =	ssyncset.done $0x0  }
0xf: {  	s16 =	simm.s32 $0x0;
	[sflag:s10] =	ssyncadd.s32 $0xFFFFC180  }
.LBB2_2:
0x10: {  	s15 =	sshll.u32 s16, $0xA;
	s17 =	sshll.u32 s16, $0x7  }
0x11: {  	s15 =	sand.u32 $0xE000, s15;
	s18 =	sand.u32 $0x380, s17;
	s17 =	simm.s32 $0x0  }
0x12: {  	s15 =	sor.u32 s18, s15;
	s31 =	sand.u32 $0x1C00, s17  }
0x13: {  	s19 =	sand.u32 $0x78, s17;
	s20 =	sadd.s32 s31, s15  }
0x14: {  	s18 =	simm.s32 $0x80;
	s19 =	sadd.s32 s19, s20  }
.LBB2_3:
0x15: {  	p0 =	sne.s32 s18, $0x1E80  }
0x16: {  	[tilespmem:s19+$0x0] =	vst v0;
	s17 =	sadd.s32 $0x10, s17;
	s19 =	smov.u32 s18;
	s18 =	sadd.s32 $0x80, s18  }
.Ltmp0:
0x17: {  	(pc) =	sbr.rel @p0 .LBB2_3-.Ltmp0, $4  }
0x18: {  	_ = 	snop  }
0x19: {  	s19 =	sand.u32 $0x1C00, s19  }
0x1a: {  	s20 =	sand.u32 $0x78, s17;
	s19 =	sadd.s32 s19, s15  }
0x1b: {  	s19 =	sadd.s32 s20, s19  }
0x1c: {  	s16 =	sadd.s32 $0x1, s16  }
0x1d: {  	p0 =	sne.s32 s16, $0x32  }
.Ltmp1:
0x1e: {  	_ = 	snop;
	(pc) =	sbr.rel @p0 .LBB2_2-.Ltmp1, $3  }
0x1f: {  	_ =	sdelay $0x1  }
0x20: {  	[tilespmem:s19+$0x0] =	vst v0  }
0x21: {  	[tilespmem:s15+$0x1C58] =	vst v0;
	s15 =	simm.s32 $0x0  }
0x22: {  	s16 =	simm.s32 $0x0  }
.LBB2_6:
0x23: {  	s17 =	sshll.u32 s16, $0xA;
	s18 =	sshll.u32 s16, $0x7  }
0x24: {  	s17 =	sand.u32 $0xE000, s17;
	s18 =	sand.u32 $0x380, s18  }
0x25: {  	s17 =	sor.u32 s18, s17  }
0x26: {  	s31 =	sand.u32 $0x1C00, s15;
	s17 =	sadd.s32 $0xE000, s17  }
0x27: {  	s19 =	sand.u32 $0x78, s15;
	s20 =	sadd.s32 s31, s17  }
0x28: {  	s18 =	simm.s32 $0x80;
	s20 =	sadd.s32 s19, s20;
	s19 =	simm.s32 $0x0  }
.LBB2_7:
0x29: {  	p0 =	sne.s32 s18, $0x1E80  }
0x2a: {  	[tilespmem:s20+$0x0] =	vst v0;
	s19 =	sadd.s32 $0x10, s19;
	s20 =	smov.u32 s18;
	s18 =	sadd.s32 $0x80, s18  }
.Ltmp2:
0x2b: {  	(pc) =	sbr.rel @p0 .LBB2_7-.Ltmp2, $4  }
0x2c: {  	_ = 	snop  }
0x2d: {  	s20 =	sand.u32 $0x1C00, s20  }
0x2e: {  	s21 =	sand.u32 $0x78, s19;
	s20 =	sadd.s32 s20, s17  }
0x2f: {  	s20 =	sadd.s32 s21, s20  }
0x30: {  	s16 =	sadd.s32 $0x1, s16  }
0x31: {  	p0 =	sne.s32 s16, $0x32  }
.Ltmp3:
0x32: {  	_ = 	snop;
	(pc) =	sbr.rel @p0 .LBB2_6-.Ltmp3, $3  }
0x33: {  	_ =	sdelay $0x1  }
0x34: {  	[tilespmem:s20+$0x0] =	vst v0  }
0x35: {  	[tilespmem:s17+$0x1C58] =	vst v0  }
0x36: {  	s16 =	simm.s32 $0x0  }
0x37: {  	s15 =	simm.s32 $0x1C000;
	v4 =	vmov s16;
	s16 =	simm.s32 $0x10  }
.LBB2_10:
0x38: {  	p0 =	sne.s32 s16, $0x1E0;
	v4 =	vmul.u32 $0xCCCD, v4;
	v5 =	vld [tilespmem:s15+$0x0];
	_ =	sdelay $0x1  }
0x39: {  	v4 =	vbroadcast v4, $0x0;
	_ =	sdelay $0x1  }
0x3a: {  	v4 =	vadd.s32 v1, v4  }
0x3b: {  	v6 =	vshrl.u32 v4, $0x9;
	v7 =	vshll.u32 v5, $0x3  }
0x3c: {  	v4 =	vshrl.u32 v4, $0xC;
	v6 =	vand.u32 $0x7FE000, v6;
	v7 =	vand.u32 $0xFFFFFC00, v7  }
0x3d: {  	v4 =	vand.u32 $0x380, v4;
	v6 =	vadd.s32 v6, v7  }
0x3e: {  	v5 =	vand.u32 $0x7F, v5;
	v4 =	vor.u32 v4, v6  }
0x3f: {  	v5 =	vor.u32 v5, v4  }
.Ltmp4:
0x40: {  	(pc) =	sbr.rel @p0 .LBB2_10-.Ltmp4, $2  }
0x41: {  	_ =	sdelay $0x2  }
0x42: {  	s15 =	sadd.s32 $0x10, s15;
	v4 =	vmov s16;
	s16 =	sadd.s32 $0x10, s16;
	[tilespmem:v5+s2+$0x0] =	vst.idx.msk $0xffff, v2  }
0x43: {  	v4 =	vmul.u32 $0xCCCD, v4;
	v5 =	vld [tilespmem:s15+$0x0];
	_ =	sdelay $0x1  }
0x44: {  	v4 =	vbroadcast v4, $0x0;
	_ =	sdelay $0x1  }
0x45: {  	v4 =	vadd.s32 v1, v4  }
0x46: {  	v6 =	vshrl.u32 v4, $0x9;
	v7 =	vshll.u32 v5, $0x3  }
0x47: {  	v4 =	vshrl.u32 v4, $0xC;
	v6 =	vand.u32 $0x7FE000, v6;
	v7 =	vand.u32 $0xFFFFFC00, v7  }
0x48: {  	v4 =	vand.u32 $0x380, v4;
	v6 =	vadd.s32 v6, v7  }
0x49: {  	v5 =	vand.u32 $0x7F, v5;
	v4 =	vor.u32 v4, v6  }
0x4a: {  	v4 =	vor.u32 v5, v4;
	_ =	sdelay $0x4  }
0x4b: {  	[tilespmem:v4+s2+$0x0] =	vst.idx.msk $0xffff, v2  }
0x4c: {  	v4 =	vld [tilespmem:$0x1C1E4];
	_ =	sdelay $0x4  }
0x4d: {  	v5 =	vshll.u32 v4, $0x3  }
0x4e: {  	v4 =	vand.u32 $0x7F, v4;
	v5 =	vand.u32 $0xFFFFFC00, v5  }
0x4f: {  	v4 =	vor.u32 v4, v5  }
0x50: {  	v4 =	vadd.s32 v3, v4;
	_ =	sdelay $0x3  }
0x51: {  	s16 =	simm.s32 $0x0  }
0x52: {  	[tilespmem:v4+s16+$0x0] =	vst.idx.msk $0xffff, v2  }
0x53: {  	[hbm4b:s5+s16] =	stream.linear.scatter [tilespmem:s16], [sflag:$0x1], $0xE000, $0x38;
	[tilespmem:$0x1FE80] =	vst v63  }
0x54: {  	s15 =	simm.s32 $0x1C1F4;
	v4 =	vmov s16;
	s16 =	simm.s32 $0x10  }
.LBB2_12:
0x55: {  	p0 =	sne.s32 s16, $0x1E0;
	v4 =	vmul.u32 $0xCCCD, v4;
	v5 =	vld [tilespmem:s15+$0x0];
	_ =	sdelay $0x1  }
0x56: {  	v4 =	vbroadcast v4, $0x0;
	_ =	sdelay $0x1  }
0x57: {  	v4 =	vadd.s32 v1, v4  }
0x58: {  	v6 =	vshrl.u32 v4, $0x9;
	v7 =	vshll.u32 v5, $0x3  }
0x59: {  	v4 =	vshrl.u32 v4, $0xC;
	v6 =	vand.u32 $0x7FE000, v6;
	v7 =	vand.u32 $0xFFFFFC00, v7  }
0x5a: {  	v4 =	vand.u32 $0x380, v4;
	v6 =	vadd.s32 v6, v7  }
0x5b: {  	v5 =	vand.u32 $0x7F, v5;
	v4 =	vor.u32 v4, v6  }
0x5c: {  	v5 =	vor.u32 v5, v4  }
.Ltmp5:
0x5d: {  	(pc) =	sbr.rel @p0 .LBB2_12-.Ltmp5, $2  }
0x5e: {  	_ =	sdelay $0x2  }
0x5f: {  	s15 =	sadd.s32 $0x10, s15;
	v4 =	vmov s16;
	s16 =	sadd.s32 $0x10, s16;
	[tilespmem:v5+s11+$0x0] =	vst.idx.msk $0xffff, v2  }
0x60: {  	v4 =	vmul.u32 $0xCCCD, v4;
	v5 =	vld [tilespmem:s15+$0x0];
	_ =	sdelay $0x1  }
0x61: {  	v4 =	vbroadcast v4, $0x0;
	_ =	sdelay $0x1  }
0x62: {  	v4 =	vadd.s32 v1, v4  }
0x63: {  	v6 =	vshrl.u32 v4, $0x9;
	v7 =	vshll.u32 v5, $0x3  }
0x64: {  	v4 =	vshrl.u32 v4, $0xC;
	v6 =	vand.u32 $0x7FE000, v6;
	v7 =	vand.u32 $0xFFFFFC00, v7  }
0x65: {  	v4 =	vand.u32 $0x380, v4;
	v6 =	vadd.s32 v6, v7  }
0x66: {  	v5 =	vand.u32 $0x7F, v5;
	v4 =	vor.u32 v4, v6  }
0x67: {  	v4 =	vor.u32 v5, v4;
	_ =	sdelay $0x4  }
0x68: {  	[tilespmem:v4+s11+$0x0] =	vst.idx.msk $0xffff, v2  }
0x69: {  	v4 =	vld [tilespmem:$0x1C3D8];
	_ =	sdelay $0x4  }
0x6a: {  	v5 =	vshll.u32 v4, $0x3  }
0x6b: {  	v4 =	vand.u32 $0x7F, v4;
	v5 =	vand.u32 $0xFFFFFC00, v5  }
0x6c: {  	v4 =	vor.u32 v4, v5  }
0x6d: {  	v4 =	vadd.s32 v3, v4;
	_ =	sdelay $0x3  }
0x6e: {  	s15 =	simm.s32 $0x1;
	s16 =	simm.s32 $0x1C000  }
0x6f: {  	s17 =	simm.s32 $0x1C3E8;
	s18 =	simm.s32 $0x1C1F4;
	s19 =	simm.s32 $0x1C5DC;
	[tilespmem:v4+s11+$0x0] =	vst.idx.msk $0xffff, v2  }
0x70: {  	[hbm4b:s7+s2] =	stream.linear.scatter [tilespmem:s11], [sflag:$0x2], $0xE000, $0x38;
	[tilespmem:$0x1FE80] =	vst v63  }
.LBB2_14:
0x71: {  	_ =	swait.ge [sflag:s12], $0xE000;
	s20 =	smul.u32 $0xFA0, s15  }
0x72: {  	s21 =	simm.s32 $0x0;
	s22 =	simm.s32 $0x10;
	[sflag:s12] =	ssyncset.done $0x0  }
0x73: {  	v4 =	vmov s21;
	s21 =	smov.u32 s16;
	[sflag:s12] =	ssyncadd.s32 $0xFFFF2000;
	s20 =	sshra.s32 s20, $0x2  }
.LBB2_15:
0x74: {  	p0 =	seq.s32 s22, $0x1E0;
	v4 =	vmul.u32 $0xCCCD, v4;
	v5 =	vld [tilespmem:s21+$0x0];
	_ =	sdelay $0x1  }
0x75: {  	v4 =	vbroadcast v4, $0x0;
	_ =	sdelay $0x1  }
0x76: {  	v4 =	vadd.s32 v1, v4  }
0x77: {  	v6 =	vshrl.u32 v4, $0x9;
	v7 =	vshll.u32 v5, $0x3  }
0x78: {  	v4 =	vshrl.u32 v4, $0xC;
	v6 =	vand.u32 $0x7FE000, v6;
	v7 =	vand.u32 $0xFFFFFC00, v7  }
0x79: {  	v4 =	vand.u32 $0x380, v4;
	v6 =	vadd.s32 v6, v7  }
0x7a: {  	v5 =	vand.u32 $0x7F, v5;
	v4 =	vor.u32 v4, v6  }
0x7b: {  	v5 =	vor.u32 v5, v4  }
.Ltmp6:
0x7c: {  	(pc) =	sbr.rel @!p0 .LBB2_15-.Ltmp6, $2  }
0x7d: {  	_ =	sdelay $0x2  }
0x7e: {  	s21 =	sadd.s32 $0x10, s21;
	v4 =	vmov s22;
	s22 =	sadd.s32 $0x10, s22;
	[tilespmem:v5+s2+$0x0] =	vst.idx.msk $0xffff, v0  }
0x7f: {  	v4 =	vmul.u32 $0xCCCD, v4;
	v5 =	vld [tilespmem:s21+$0x0];
	_ =	sdelay $0x1  }
0x80: {  	v4 =	vbroadcast v4, $0x0;
	_ =	sdelay $0x1  }
0x81: {  	v4 =	vadd.s32 v1, v4  }
0x82: {  	v6 =	vshrl.u32 v4, $0x9;
	v7 =	vshll.u32 v5, $0x3  }
0x83: {  	v4 =	vshrl.u32 v4, $0xC;
	v6 =	vand.u32 $0x7FE000, v6;
	v7 =	vand.u32 $0xFFFFFC00, v7  }
0x84: {  	v4 =	vand.u32 $0x380, v4;
	v6 =	vadd.s32 v6, v7  }
0x85: {  	v5 =	vand.u32 $0x7F, v5;
	v4 =	vor.u32 v4, v6  }
0x86: {  	v4 =	vor.u32 v5, v4;
	_ =	sdelay $0x4  }
0x87: {  	[tilespmem:v4+s2+$0x0] =	vst.idx.msk $0xffff, v0  }
0x88: {  	v4 =	vld [tilespmem:s20+$0x1BDFC];
	_ =	sdelay $0x4  }
0x89: {  	v5 =	vshll.u32 v4, $0x3  }
0x8a: {  	v4 =	vand.u32 $0x7F, v4;
	v5 =	vand.u32 $0xFFFFFC00, v5  }
0x8b: {  	v4 =	vor.u32 v4, v5  }
0x8c: {  	v4 =	vadd.s32 v3, v4;
	_ =	sdelay $0x3  }
0x8d: {  	s31 =	simm.s32 $0x0  }
0x8e: {  	s22 =	simm.s32 $0x10;
	s21 =	smov.u32 s17;
	[tilespmem:v4+s31+$0x0] =	vst.idx.msk $0xffff, v0;
	v4 =	vmov s31  }
.LBB2_17:
0x8f: {  	p0 =	sne.s32 s22, $0x1E0;
	v4 =	vmul.u32 $0xCCCD, v4;
	v5 =	vld [tilespmem:s21+$0x0];
	_ =	sdelay $0x1  }
0x90: {  	v4 =	vbroadcast v4, $0x0;
	_ =	sdelay $0x1  }
0x91: {  	v4 =	vadd.s32 v1, v4  }
0x92: {  	v6 =	vshrl.u32 v4, $0x9;
	v7 =	vshll.u32 v5, $0x3  }
0x93: {  	v4 =	vshrl.u32 v4, $0xC;
	v6 =	vand.u32 $0x7FE000, v6;
	v7 =	vand.u32 $0xFFFFFC00, v7  }
0x94: {  	v4 =	vand.u32 $0x380, v4;
	v6 =	vadd.s32 v6, v7  }
0x95: {  	v5 =	vand.u32 $0x7F, v5;
	v4 =	vor.u32 v4, v6  }
0x96: {  	v5 =	vor.u32 v5, v4  }
.Ltmp7:
0x97: {  	(pc) =	sbr.rel @p0 .LBB2_17-.Ltmp7, $2  }
0x98: {  	_ =	sdelay $0x2  }
0x99: {  	s21 =	sadd.s32 $0x10, s21;
	v4 =	vmov s22;
	s22 =	sadd.s32 $0x10, s22;
	[tilespmem:v5+s2+$0x0] =	vst.idx.msk $0xffff, v2  }
0x9a: {  	v4 =	vmul.u32 $0xCCCD, v4;
	v5 =	vld [tilespmem:s21+$0x0];
	_ =	sdelay $0x1  }
0x9b: {  	v4 =	vbroadcast v4, $0x0;
	_ =	sdelay $0x1  }
0x9c: {  	v4 =	vadd.s32 v1, v4  }
0x9d: {  	v6 =	vshrl.u32 v4, $0x9;
	v7 =	vshll.u32 v5, $0x3  }
0x9e: {  	v4 =	vshrl.u32 v4, $0xC;
	v6 =	vand.u32 $0x7FE000, v6;
	v7 =	vand.u32 $0xFFFFFC00, v7  }
0x9f: {  	v4 =	vand.u32 $0x380, v4;
	v6 =	vadd.s32 v6, v7  }
0xa0: {  	v5 =	vand.u32 $0x7F, v5;
	v4 =	vor.u32 v4, v6  }
0xa1: {  	v4 =	vor.u32 v5, v4;
	_ =	sdelay $0x4  }
0xa2: {  	[tilespmem:v4+s2+$0x0] =	vst.idx.msk $0xffff, v2  }
0xa3: {  	v4 =	vld [tilespmem:s20+$0x1C1E4];
	_ =	sdelay $0x4  }
0xa4: {  	v5 =	vshll.u32 v4, $0x3  }
0xa5: {  	v4 =	vand.u32 $0x7F, v4;
	v5 =	vand.u32 $0xFFFFFC00, v5  }
0xa6: {  	v4 =	vor.u32 v4, v5  }
0xa7: {  	v4 =	vadd.s32 v3, v4  }
0xa8: {  	s21 =	sshll.u32 s15, $0x1  }
0xa9: {  	s22 =	sadd.s32 s4, s21  }
0xaa: {  	s23 =	smul.u32 $0x1C00, s22  }
0xab: {  	s31 =	simm.s32 $0x0  }
0xac: {  	s23 =	sadd.s32 s3, s23;
	[tilespmem:v4+s31+$0x0] =	vst.idx.msk $0xffff, v2  }
0xad: {  	[hbm4b:s23+s31] =	stream.linear.scatter [tilespmem:s31], [sflag:$0x1], $0xE000, $0x38;
	[tilespmem:$0x1FE80] =	vst v63  }
0xae: {  	_ =	swait.ge [sflag:s13], $0xE000  }
0xaf: {  	[sflag:s13] =	ssyncset.done $0x0  }
0xb0: {  	s22 =	smov.u32 s18;
	v4 =	vmov s31;
	s23 =	simm.s32 $0x10;
	[sflag:s13] =	ssyncadd.s32 $0xFFFF2000  }
.LBB2_19:
0xb1: {  	p0 =	seq.s32 s23, $0x1E0;
	v4 =	vmul.u32 $0xCCCD, v4;
	v5 =	vld [tilespmem:s22+$0x0];
	_ =	sdelay $0x1  }
0xb2: {  	v4 =	vbroadcast v4, $0x0;
	_ =	sdelay $0x1  }
0xb3: {  	v4 =	vadd.s32 v1, v4  }
0xb4: {  	v6 =	vshrl.u32 v4, $0x9;
	v7 =	vshll.u32 v5, $0x3  }
0xb5: {  	v4 =	vshrl.u32 v4, $0xC;
	v6 =	vand.u32 $0x7FE000, v6;
	v7 =	vand.u32 $0xFFFFFC00, v7  }
0xb6: {  	v4 =	vand.u32 $0x380, v4;
	v6 =	vadd.s32 v6, v7  }
0xb7: {  	v5 =	vand.u32 $0x7F, v5;
	v4 =	vor.u32 v4, v6  }
0xb8: {  	v5 =	vor.u32 v5, v4  }
.Ltmp8:
0xb9: {  	(pc) =	sbr.rel @!p0 .LBB2_19-.Ltmp8, $2  }
0xba: {  	_ =	sdelay $0x2  }
0xbb: {  	s22 =	sadd.s32 $0x10, s22;
	v4 =	vmov s23;
	s23 =	sadd.s32 $0x10, s23;
	[tilespmem:v5+s11+$0x0] =	vst.idx.msk $0xffff, v0  }
0xbc: {  	v4 =	vmul.u32 $0xCCCD, v4;
	v5 =	vld [tilespmem:s22+$0x0];
	_ =	sdelay $0x1  }
0xbd: {  	v4 =	vbroadcast v4, $0x0;
	_ =	sdelay $0x1  }
0xbe: {  	v4 =	vadd.s32 v1, v4  }
0xbf: {  	v6 =	vshrl.u32 v4, $0x9;
	v7 =	vshll.u32 v5, $0x3  }
0xc0: {  	v4 =	vshrl.u32 v4, $0xC;
	v6 =	vand.u32 $0x7FE000, v6;
	v7 =	vand.u32 $0xFFFFFC00, v7  }
0xc1: {  	v4 =	vand.u32 $0x380, v4;
	v6 =	vadd.s32 v6, v7  }
0xc2: {  	v5 =	vand.u32 $0x7F, v5;
	v4 =	vor.u32 v4, v6  }
0xc3: {  	v4 =	vor.u32 v5, v4;
	_ =	sdelay $0x4  }
0xc4: {  	[tilespmem:v4+s11+$0x0] =	vst.idx.msk $0xffff, v0  }
0xc5: {  	v4 =	vld [tilespmem:s20+$0x1BFF0];
	_ =	sdelay $0x4  }
0xc6: {  	v5 =	vshll.u32 v4, $0x3  }
0xc7: {  	v4 =	vand.u32 $0x7F, v4;
	v5 =	vand.u32 $0xFFFFFC00, v5  }
0xc8: {  	v4 =	vor.u32 v4, v5  }
0xc9: {  	v4 =	vadd.s32 v3, v4;
	_ =	sdelay $0x1  }
0xca: {  	s20 =	sor.u32 $0x1, s21  }
0xcb: {  	s21 =	smul.u32 $0x7D0, s20  }
0xcc: {  	s31 =	simm.s32 $0x0  }
0xcd: {  	s23 =	simm.s32 $0x10;
	s22 =	smov.u32 s19;
	s21 =	sshra.s32 s21, $0x2;
	[tilespmem:v4+s11+$0x0] =	vst.idx.msk $0xffff, v0;
	v4 =	vmov s31  }
.LBB2_21:
0xce: {  	p0 =	sne.s32 s23, $0x1E0;
	v4 =	vmul.u32 $0xCCCD, v4;
	v5 =	vld [tilespmem:s22+$0x0];
	_ =	sdelay $0x1  }
0xcf: {  	v4 =	vbroadcast v4, $0x0;
	_ =	sdelay $0x1  }
0xd0: {  	v4 =	vadd.s32 v1, v4  }
0xd1: {  	v6 =	vshrl.u32 v4, $0x9;
	v7 =	vshll.u32 v5, $0x3  }
0xd2: {  	v4 =	vshrl.u32 v4, $0xC;
	v6 =	vand.u32 $0x7FE000, v6;
	v7 =	vand.u32 $0xFFFFFC00, v7  }
0xd3: {  	v4 =	vand.u32 $0x380, v4;
	v6 =	vadd.s32 v6, v7  }
0xd4: {  	v5 =	vand.u32 $0x7F, v5;
	v4 =	vor.u32 v4, v6  }
0xd5: {  	v5 =	vor.u32 v5, v4  }
.Ltmp9:
0xd6: {  	(pc) =	sbr.rel @p0 .LBB2_21-.Ltmp9, $2  }
0xd7: {  	_ =	sdelay $0x2  }
0xd8: {  	s22 =	sadd.s32 $0x10, s22;
	v4 =	vmov s23;
	s23 =	sadd.s32 $0x10, s23;
	[tilespmem:v5+s11+$0x0] =	vst.idx.msk $0xffff, v2  }
0xd9: {  	v4 =	vmul.u32 $0xCCCD, v4;
	v5 =	vld [tilespmem:s22+$0x0];
	_ =	sdelay $0x1  }
0xda: {  	v4 =	vbroadcast v4, $0x0;
	_ =	sdelay $0x1  }
0xdb: {  	v4 =	vadd.s32 v1, v4  }
0xdc: {  	v6 =	vshrl.u32 v4, $0x9;
	v7 =	vshll.u32 v5, $0x3  }
0xdd: {  	v4 =	vshrl.u32 v4, $0xC;
	v6 =	vand.u32 $0x7FE000, v6;
	v7 =	vand.u32 $0xFFFFFC00, v7  }
0xde: {  	v4 =	vand.u32 $0x380, v4;
	v6 =	vadd.s32 v6, v7  }
0xdf: {  	v5 =	vand.u32 $0x7F, v5;
	v4 =	vor.u32 v4, v6  }
0xe0: {  	v4 =	vor.u32 v5, v4;
	_ =	sdelay $0x4  }
0xe1: {  	[tilespmem:v4+s11+$0x0] =	vst.idx.msk $0xffff, v2  }
0xe2: {  	v4 =	vld [tilespmem:s21+$0x1C1E4];
	_ =	sdelay $0x4  }
0xe3: {  	v5 =	vshll.u32 v4, $0x3  }
0xe4: {  	v4 =	vand.u32 $0x7F, v4;
	v5 =	vand.u32 $0xFFFFFC00, v5  }
0xe5: {  	v4 =	vor.u32 v4, v5  }
0xe6: {  	s15 =	sadd.s32 $0x1, s15;
	v4 =	vadd.s32 v3, v4  }
0xe7: {  	p0 =	sne.s32 s15, $0x10  }
.Ltmp10:
0xe8: {  	s20 =	sadd.s32 s4, s20;
	(pc) =	sbr.rel @p0 .LBB2_14-.Ltmp10, $4  }
0xe9: {  	s20 =	smul.u32 $0x1C00, s20  }
0xea: {  	s16 =	sadd.s32 $0x3E8, s16;
	s17 =	sadd.s32 $0x3E8, s17  }
0xeb: {  	s18 =	sadd.s32 $0x3E8, s18;
	s19 =	sadd.s32 $0x3E8, s19;
	s20 =	sadd.s32 s3, s20;
	[tilespmem:v4+s11+$0x0] =	vst.idx.msk $0xffff, v2  }
0xec: {  	[hbm4b:s20+s2] =	stream.linear.scatter [tilespmem:s11], [sflag:$0x2], $0xE000, $0x38;
	[tilespmem:$0x1FE80] =	vst v63  }
0xed: {  	s14 =	sadd.s32 $0x1, s14  }
0xee: {  	_ =	swait.ge [sflag:s12], $0xE000;
	p0 =	sne.s32 s14, s8  }
.Ltmp11:
0xef: {  	[sflag:s12] =	ssyncset.done $0x0;
	(pc) =	sbr.rel @p0 .LBB2_1-.Ltmp11, $4  }
0xf0: {  	[sflag:s12] =	ssyncadd.s32 $0xFFFF2000  }
0xf1: {  	_ =	swait.ge [sflag:s13], $0xE000  }
0xf2: {  	[sflag:s13] =	ssyncset.done $0x0  }
0xf3: {  	[sflag:s13] =	ssyncadd.s32 $0xFFFF2000  }
0xf4: {  	_ =	sfence.sel $0x180000  }
0xf5: {  	[bflag:$0x0] =	sbarrier.arrive $0xFFFF  }
0xf6: {  	p0 =	sne.s32 s1, $0x0;
	_ =	strace $0x90000047  }
0xf7: {  	s0 =	sadd.s32 @!p0 $0x100000, s0;
	[bflag:$0x2] =	sbarrier.arrive $0xFFFF  }
0xf8: {  	[sflag:s0] =	ssyncadd.tile.s32 @!p0 $0x1;
	_ =	shalt  }
.Lfunc_end2:
_tile_overlayer_lowered:
.L_overlay_start_2:
0xf9: {  	(tag) =	ssettag $0x2  }
0xfa: {  	s0 =	rddreg [dreg:$0x0];
	s2 =	stileid.u32  }
0xfb: {  	s1 =	rddreg [dreg:$0x1];
	p0 =	sne.s32 s2, $0x0  }
0xfc: {  	s3 =	rddreg [dreg:$0x2];
	[bflag:$0x3] =	sbarrier.arrive $0xFFFF;
	s2 =	simm.s32 @!p0 $0x1C03  }
0xfd: {  	[timem:s3], [sflag:s2] =	dma.local @!p0 [hbm:s0], s1  }
0xfe: {  	s0 =	simm.s32 @!p0 $0x3  }
0xff: {  	_ =	swait.ge @!p0 [sflag:s0], s1  }
0x100: {  	s1 =	ssub.s32 @!p0 $0x0, s1;
	[sflag:s0] =	ssyncset.done @!p0 $0x0  }
0x101: {  	[sflag:s0] =	ssyncadd.s32 @!p0 s1  }
0x102: {  	[bflag:$0x3] =	sbarrier.arrive $0xFFFF  }
0x103: {  	_ =	shalt  }

</sc_bundles>
